<compile_context>
chip_gen: v7x
topology: tpu7x:2x2x1
jax: 0.10.2.dev20260603
libtpu: 0.0.44.dev20260713+nightly
codegen_flags: <defaults>
</compile_context>

<pallas_src>
import jax
import jax.numpy as jnp
import numpy as np
from jax import lax
from jax.experimental import pallas as pl
from jax.experimental.pallas import tpu as pltpu
from jax.experimental.pallas import tpu_sc as plsc

TABLE_SIZE = 524288
NUM_LEVELS = 16
FEATS = 2
BASE_RES = 16
MAX_RES = 512
N_POINTS = 1048576

NC = 2
NS = 16
NW = NC * NS
LANES = 16
PT = N_POINTS // NW
SEG = TABLE_SIZE // NS

C = 512
CB = 128
MASK = TABLE_SIZE - 1
P2 = np.int32(np.uint32(2654435761).astype(np.int32))
P3 = np.int32(805459861)

OFFSETS = [(0, 0, 0), (1, 0, 0), (0, 1, 0), (0, 0, 1),
           (1, 1, 0), (1, 0, 1), (0, 1, 1), (1, 1, 1)]


def _resolutions():
    b = np.exp(np.log(MAX_RES / BASE_RES) / (NUM_LEVELS - 1))
    return [int(np.floor(BASE_RES * b ** l)) for l in range(NUM_LEVELS)]


def _loop(n, body):
    def fb(i, carry):
        body(i)
        return carry
    lax.fori_loop(jnp.int32(0), jnp.int32(n), fb, jnp.int32(0))


def _hash_kernel(x0_hbm, x1_hbm, x2_hbm, tpk_hbm, res_hbm, out_hbm,
                 xn0, xn1, xn2, res_v, idx_s, ww_s, r_s, out_s,
                 sh, sem):
    cid = lax.axis_index("c")
    sid = lax.axis_index("s")
    wid = sid * jnp.int32(NC) + cid
    tile_base = wid * jnp.int32(PT)

    pltpu.sync_copy(res_hbm, res_v)

    iota = lax.iota(jnp.int32, LANES)

    def level_body(l):
        pass

        l_splat = jnp.full((LANES,), l, dtype=jnp.int32)
        res_splat = plsc.load_gather(res_v, [l_splat])

        def chunk_body(ci):
            cbase = ci * jnp.int32(C)
            gbase = tile_base + cbase
            pass

            pass

            pass

        _loop(PT // C, chunk_body)

    _loop(NUM_LEVELS, level_body)


@jax.jit
def kernel(x, tables):
    x0 = x[:, 0]
    x1 = x[:, 1]
    x2 = x[:, 2]
    b0 = jax.lax.bitcast_convert_type(
        tables[:, :, 0].astype(jnp.bfloat16), jnp.uint16).astype(jnp.uint32)
    b1 = jax.lax.bitcast_convert_type(
        tables[:, :, 1].astype(jnp.bfloat16), jnp.uint16).astype(jnp.uint32)
    tpk = jax.lax.bitcast_convert_type(
        (b0 << jnp.uint32(16)) | b1, jnp.int32)
    res = jnp.array(_resolutions(), dtype=jnp.float32)

    mesh = plsc.VectorSubcoreMesh(core_axis_name="c", subcore_axis_name="s")
    f = pl.kernel(
        _hash_kernel,
        out_type=jax.ShapeDtypeStruct((NUM_LEVELS, N_POINTS, FEATS),
                                      jnp.float32),
        mesh=mesh,
        compiler_params=pltpu.CompilerParams(needs_layout_passes=False,
                                             use_tc_tiling_on_sc=False),
        scratch_types=[
            pltpu.VMEM((C,), jnp.float32),
            pltpu.VMEM((C,), jnp.float32),
            pltpu.VMEM((C,), jnp.float32),
            pltpu.VMEM((LANES,), jnp.float32),
            pltpu.VMEM((8 * C,), jnp.int32),
            pltpu.VMEM((8, C), jnp.float32),
            pltpu.VMEM((8 * C,), jnp.int32),
            pltpu.VMEM((C, FEATS), jnp.float32),
            pltpu.VMEM_SHARED((TABLE_SIZE,), jnp.int32),
            pltpu.SemaphoreType.DMA,
        ],
    )
    out3 = f(x0, x1, x2, tpk, res)
    return jnp.transpose(out3, (1, 0, 2)).reshape(N_POINTS,
                                                  NUM_LEVELS * FEATS)

# --- scband reference (transcript-rebuilt; emitter-appended) ---
"""Pipeline reference for scband-hash-encoding-74079595921577 (READ-ONLY COPY).

The authoritative reference and input builder live on the scoring server;
editing this copy changes nothing except your own understanding.
"""

import jax, jax.numpy as jnp
import numpy as np

jax.config.update('jax_enable_x64', True)

TABLE_SIZE = 524288
NUM_LEVELS = 16
FEATS = 2
BASE_RES = 16
MAX_RES = 512
BB = (-1.0, 1.0)
N_POINTS = 1048576


def _resolutions():
    b = np.exp(np.log(MAX_RES / BASE_RES) / (NUM_LEVELS - 1))
    return [int(np.floor(BASE_RES * b ** l)) for l in range(NUM_LEVELS)]


def setup_inputs(seed: int = 0):
    key = jax.random.key(seed)
    k1, k2 = jax.random.split(key)
    x = jax.random.normal(k1, (N_POINTS, 3), dtype=jnp.float32)
    tables = jax.random.normal(k2, (NUM_LEVELS, TABLE_SIZE, FEATS), dtype=jnp.float32) * 0.01
    return {"x": x, "tables": tables}


def reference(x, tables):
    resolutions = jnp.array(_resolutions(), dtype=jnp.float32)
    primes = jnp.array([1, 2654435761, 805459861], dtype=jnp.int64)
    bb_min, bb_max = BB
    xn = (x - bb_min) / (bb_max - bb_min)
    xn = jnp.clip(xn, 0.0, 1.0 - 1e-06)
    offsets = [(0, 0, 0), (1, 0, 0), (0, 1, 0), (0, 0, 1), (1, 1, 0), (1, 0, 1), (0, 1, 1), (1, 1, 1)]

    def level_body(carry, inp):
        res, table = inp
        xs = xn * res
        xf = jnp.floor(xs).astype(jnp.int64)
        w = xs - xf.astype(jnp.float32)
        interp = jnp.zeros((x.shape[0], FEATS), dtype=jnp.float32)
        for (ox, oy, oz) in offsets:
            corner = xf + jnp.array([ox, oy, oz], dtype=jnp.int64)
            wx = (1 - ox) * (1 - w[:, 0]) + ox * w[:, 0]
            wy = (1 - oy) * (1 - w[:, 1]) + oy * w[:, 1]
            wz = (1 - oz) * (1 - w[:, 2]) + oz * w[:, 2]
            ww = wx * wy * wz
            h = (corner[:, 0] * primes[0]) ^ (corner[:, 1] * primes[1]) ^ (corner[:, 2] * primes[2])
            idx = jnp.abs(h % TABLE_SIZE)
            cf = jnp.take(table, idx, axis=0)
            interp = interp + ww[:, None] * cf
        return carry, interp

    _, feats = jax.lax.scan(level_body, None, (resolutions, tables))
    return jnp.transpose(feats, (1, 0, 2)).reshape(x.shape[0], NUM_LEVELS * FEATS)

if __name__ == "__main__":
    import jax
    _d = setup_inputs()
    print(jax.jit(kernel)(*tuple(_d.values())))

</pallas_src>

<mosaic_0001>
#map = affine_map<(d0, d1) -> (0)>
#map1 = affine_map<(d0, d1) -> (0, 0)>
#map2 = affine_map<(d0, d1) -> (0, 0, 0)>
module attributes {stable_mosaic.version = 14 : i64} {
  func.func @_hash_kernel(%arg0: i32, %arg1: i32, %arg2: memref<1048576xf32, #tpu.memory_space<hbm>>, %arg3: memref<1048576xf32, #tpu.memory_space<hbm>>, %arg4: memref<1048576xf32, #tpu.memory_space<hbm>>, %arg5: memref<16x524288xi32, #tpu.memory_space<hbm>>, %arg6: memref<16xf32, #tpu.memory_space<hbm>>, %arg7: memref<16x1048576x2xf32, #tpu.memory_space<hbm>>, %arg8: memref<512xf32, #tpu.memory_space<vmem>>, %arg9: memref<512xf32, #tpu.memory_space<vmem>>, %arg10: memref<512xf32, #tpu.memory_space<vmem>>, %arg11: memref<16xf32, #tpu.memory_space<vmem>>, %arg12: memref<4096xi32, #tpu.memory_space<vmem>>, %arg13: memref<8x512xf32, #tpu.memory_space<vmem>>, %arg14: memref<4096xi32, #tpu.memory_space<vmem>>, %arg15: memref<512x2xf32, #tpu.memory_space<vmem>>, %arg16: memref<524288xi32, #tpu.memory_space<vmem_shared>>, %arg17: memref<!tpu.dma_semaphore, #tpu.memory_space<semaphore_mem>>) attributes {dimension_semantics = [#tpu.dimension_semantics<core_parallel>, #tpu.dimension_semantics<subcore_parallel>], iteration_bounds = array<i64: 2, 16>, scalar_prefetch = 0 : i64, scratch_operands = 10 : i64, tpu.core_type = #tpu.core_type<sc_vector_subcore>, window_params = [{transform_indices = #map}, {transform_indices = #map}, {transform_indices = #map}, {transform_indices = #map1}, {transform_indices = #map}, {transform_indices = #map2}]} {
    %mul3A = arith.constant 2 : i32
    %mul3A_0 = arith.muli %arg1, %mul3A : i32
    %add3A = arith.addi %mul3A_0, %arg0 : i32
    %mul3A_1 = arith.constant 32768 : i32
    %mul3A_2 = arith.muli %add3A, %mul3A_1 : i32
    "tpu.region"() ({
      %run_scoped3A = tpu.sem_alloc : memref<!tpu.dma_semaphore, #tpu.memory_space<semaphore_mem>>
      tpu.enqueue_dma source(%arg6 : memref<16xf32, #tpu.memory_space<hbm>>) target(%arg11 : memref<16xf32, #tpu.memory_space<vmem>>) target_semaphore(%run_scoped3A : memref<!tpu.dma_semaphore, #tpu.memory_space<semaphore_mem>>)
      tpu.wait_dma2 semaphore(%run_scoped3A : memref<!tpu.dma_semaphore, #tpu.memory_space<semaphore_mem>>) src(%arg6 : memref<16xf32, #tpu.memory_space<hbm>>) dst(%arg11 : memref<16xf32, #tpu.memory_space<vmem>>)
      tpu.yield
    }) : () -> ()
    %iota3A = tpu.iota {dimensions = array<i32: 0>} : vector<16xi32>
    %while3A = arith.constant 0 : i32
    %while3A_3 = arith.constant 0 : i32
    %while3A_4 = arith.constant 16 : i32
    %while3A_5 = arith.subi %while3A_4, %while3A_3 : i32
    %while3A_6 = arith.addi %while3A_3, %while3A_5 : i32
    %while3A_7 = arith.constant 1 : i32
    %while3A_8 = arith.divsi %while3A_5, %while3A_7 : i32
    %while3A_9 = arith.muli %while3A_8, %while3A_7 : i32
    %while3A_10 = arith.addi %while3A_3, %while3A_9 : i32
    %while3A_11 = arith.constant 1 : i32
    scf.for %while3A_13 = %while3A_3 to %while3A_10 step %while3A_11  : i32 {
      %broadcast_in_dim3A = vector.broadcast %while3A_13 : i32 to vector<16xi32>
      %gather3A = tpu.vector_load_idx %arg11[%broadcast_in_dim3A] : memref<16xf32, #tpu.memory_space<vmem>>[vector<16xi32>], vector<16xf32>,
      %while3A_14 = arith.constant 0 : i32
      %while3A_15 = arith.constant 0 : i32
      %while3A_16 = arith.constant 64 : i32
      %while3A_17 = arith.subi %while3A_16, %while3A_15 : i32
      %while3A_18 = arith.addi %while3A_15, %while3A_17 : i32
      %while3A_19 = arith.constant 1 : i32
      %while3A_20 = arith.divsi %while3A_17, %while3A_19 : i32
      %while3A_21 = arith.muli %while3A_20, %while3A_19 : i32
      %while3A_22 = arith.addi %while3A_15, %while3A_21 : i32
      %while3A_23 = arith.constant 1 : i32
      scf.for %while3A_25 = %while3A_15 to %while3A_22 step %while3A_23  : i32 {
        %mul3A_26 = arith.constant 512 : i32
        %mul3A_27 = arith.muli %while3A_25, %mul3A_26 : i32
        %add3A_28 = arith.addi %mul3A_2, %mul3A_27 : i32
      }
      %while3A_24 = arith.constant 1 : i32
      scf.for %while3A_25 = %while3A_22 to %while3A_18 step %while3A_24  : i32 {
        %mul3A_26 = arith.constant 512 : i32
        %mul3A_27 = arith.muli %while3A_25, %mul3A_26 : i32
        %add3A_28 = arith.addi %mul3A_2, %mul3A_27 : i32
      }
    }
    %while3A_12 = arith.constant 1 : i32
    scf.for %while3A_13 = %while3A_10 to %while3A_6 step %while3A_12  : i32 {
      %broadcast_in_dim3A = vector.broadcast %while3A_13 : i32 to vector<16xi32>
      %gather3A = tpu.vector_load_idx %arg11[%broadcast_in_dim3A] : memref<16xf32, #tpu.memory_space<vmem>>[vector<16xi32>], vector<16xf32>,
      %while3A_14 = arith.constant 0 : i32
      %while3A_15 = arith.constant 0 : i32
      %while3A_16 = arith.constant 64 : i32
      %while3A_17 = arith.subi %while3A_16, %while3A_15 : i32
      %while3A_18 = arith.addi %while3A_15, %while3A_17 : i32
      %while3A_19 = arith.constant 1 : i32
      %while3A_20 = arith.divsi %while3A_17, %while3A_19 : i32
      %while3A_21 = arith.muli %while3A_20, %while3A_19 : i32
      %while3A_22 = arith.addi %while3A_15, %while3A_21 : i32
      %while3A_23 = arith.constant 1 : i32
      scf.for %while3A_25 = %while3A_15 to %while3A_22 step %while3A_23  : i32 {
        %mul3A_26 = arith.constant 512 : i32
        %mul3A_27 = arith.muli %while3A_25, %mul3A_26 : i32
        %add3A_28 = arith.addi %mul3A_2, %mul3A_27 : i32
      }
      %while3A_24 = arith.constant 1 : i32
      scf.for %while3A_25 = %while3A_22 to %while3A_18 step %while3A_24  : i32 {
        %mul3A_26 = arith.constant 512 : i32
        %mul3A_27 = arith.muli %while3A_25, %mul3A_26 : i32
        %add3A_28 = arith.addi %mul3A_2, %mul3A_27 : i32
      }
    }
    return
  }
}

</mosaic_0001>

<sc_bundles>
// kernel: kernel.3.cloned.1.call-start
scs
__scs_entry_jumppad:
0x0: {  	(pc) =	sbr.rel $0x88, $3  }
0x1: {  	(tag) =	ssettag $0x0;
	lr =	simm.s32 $0x1  }
0x2: {  	[smem:$0x3F9F] =	sst lr;
	_ =	strace $0xD0000000  }
0x3: {  	_ = 	snop  }
0x4: {  	_ = 	snop  }
0x5: {  	_ = 	snop  }
0x6: {  	_ = 	snop  }
0x7: {  	_ = 	snop  }
__scs_overlays_trampoline_lowered:
0x8: {  	[smem:$0x3FAE] =	sst s0  }
0x9: {  	[smem:$0x3FAF] =	sst s1  }
0xa: {  	[smem:$0x3FB0] =	sst s2  }
0xb: {  	[smem:$0x3FB1] =	sst s3  }
0xc: {  	[smem:$0x3FB2] =	sst s4  }
0xd: {  	[smem:$0x3FB3] =	sst s5  }
0xe: {  	[smem:$0x3FB4] =	sst s6  }
0xf: {  	[smem:$0x3FB5] =	sst s7  }
0x10: {  	[smem:$0x3FB6] =	sst s8  }
0x11: {  	[smem:$0x3FB7] =	sst s9;
	s0 =	simm.s32 @!p0 $0x0  }
0x12: {  	s1 =	sld [smem:$0x3F9D];
	s0 =	simm.s32 @p0 $0x1  }
0x13: {  	[smem:$0x3FB8] =	sst s0;
	s0 =	simm.s32 @!p1 $0x0  }
0x14: {  	s2 =	sld [smem:$0x3F9C];
	s0 =	simm.s32 @p1 $0x1  }
0x15: {  	[smem:$0x3FB9] =	sst s0;
	s0 =	simm.s32 @!p2 $0x0  }
0x16: {  	s3 =	sld [smem:$0x3FDB];
	s0 =	simm.s32 @p2 $0x1  }
0x17: {  	s4 =	simm.s32 $0x1BF5;
	[smem:$0x3FBB] =	sst s0  }
0x18: {  	s0 =	sld [smem:$0x3F9E];
	_ =	swait.ge [sflag:s4], $0x0  }
0x19: {  	s7 =	sld [smem:$0x3F9F]  }
0x1a: {  	s8 =	sadd.s32 $0xFFFFE003, lr  }
0x1b: {  	s9 =	sadd.s32 $0xFFFFFEF7, lr;
	s5 =	simm.s32 $0xFFFFFFFF;
	p2 =	slt.u32 s8, $0xFFFFF086  }
0x1c: {  	p1 =	slt.u32 s9, $0xF7A;
	s5 =	simm.s32 @!p2 $0x0  }
0x1d: {  	s5 =	simm.s32 @p1 $0x1;
	p0 =	seq.s32 s7, s2  }
0x1e: {  	s7 =	smul.u32 @!p0 $0xF7A, s2;
	p2 =	seq.s32 @!p0 s5, $0x0  }
0x1f: {  	s9 =	smul.u32 $0xF7A, s1;
	s8 =	simm.s32 @!p0 $0x1BF5;
	p2 =	por !p2, p0  }
0x20: {  	[sflag:s8] =	ssyncset.s32 @!p0 $0xFFFFF086;
	s6 =	sadd.s32 @!p0 s3, s7;
	s7 =	simm.s32 @!p0 $0x108  }
0x21: {  	s3 =	sadd.s32 s3, s9;
	s6 =	sadd.s32 @!p0 $0x88, s6;
	s7 =	simm.s32 @p2 $0x1082  }
0x22: {  	[simem:s7], [sflag:s8] =	dma.local @!p0 [hbm:s6], $0xF7A  }
0x23: {  	s9 =	sor.u32 $0xD0000000, s2;
	s6 =	simm.s32 $0x108;
	_ =	swait.ge @!p0 [sflag:s8], $0x0  }
0x24: {  	s3 =	sadd.s32 $0x88, s3;
	s6 =	simm.s32 @!p1 $0x1082;
	[sflag:s4] =	ssyncset.s32 $0xFFFFF086  }
0x25: {  	[simem:s6], [sflag:s4] =	dma.local [hbm:s3], $0xF7A  }
0x26: {  	[smem:$0x3F9F] =	sst s1;
	(tag) =	ssettag s2;
	_ =	strace s9  }
0x27: {  	s1 =	sld [smem:$0x3FAF]  }
0x28: {  	s2 =	sld [smem:$0x3FB0]  }
0x29: {  	s4 =	sld [smem:$0x3FB2]  }
0x2a: {  	p0 =	seq.s32 s5, $0x0;
	s5 =	sld [smem:$0x3FB3]  }
0x2b: {  	s6 =	sld [smem:$0x3FB4]  }
0x2c: {  	s7 =	sld [smem:$0x3FB5]  }
0x2d: {  	s3 =	simm.s32 $0x108;
	s8 =	sld [smem:$0x3FB6]  }
0x2e: {  	s3 =	simm.s32 @!p0 $0x1082;
	s9 =	sld [smem:$0x3FB7]  }
0x2f: {  	lr =	sadd.s32 s0, s3;
	s0 =	sld [smem:$0x3FAE]  }
0x30: {  	s3 =	sld [smem:$0x3FB1]  }
0x31: {  	[smem:$0x3FBA] =	sst s10  }
0x32: {  	s10 =	sld [smem:$0x3FB8];
	_ =	sdelay $0x3  }
0x33: {  	p0 =	seq.s32 s10, $0x1;
	s10 =	sld [smem:$0x3FBA];
	_ =	sdelay $0x3  }
0x34: {  	[smem:$0x3FBA] =	sst s10  }
0x35: {  	s10 =	sld [smem:$0x3FB9];
	_ =	sdelay $0x3  }
0x36: {  	p1 =	seq.s32 s10, $0x1;
	s10 =	sld [smem:$0x3FBA];
	_ =	sdelay $0x3  }
0x37: {  	[smem:$0x3FBA] =	sst s10  }
0x38: {  	s10 =	sld [smem:$0x3FBB]  }
0x39: {  	_ = 	snop;
	(pc) =	sbr.ind lr, $3  }
0x3a: {  	_ = 	snop  }
0x3b: {  	_ = 	snop  }
0x3c: {  	p2 =	seq.s32 s10, $0x1;
	s10 =	sld [smem:$0x3FBA]  }
0x3d: {  	_ =	shalt  }
0x3e: {  	_ =	shalt  }
0x3f: {  	_ =	shalt  }
0x40: {  	_ =	shalt  }
0x41: {  	_ =	shalt  }
0x42: {  	_ =	shalt  }
0x43: {  	_ =	shalt  }
0x44: {  	_ =	shalt  }
0x45: {  	_ =	shalt  }
0x46: {  	_ =	shalt  }
0x47: {  	_ =	shalt  }
0x48: {  	_ =	shalt  }
0x49: {  	_ =	shalt  }
0x4a: {  	_ =	shalt  }
0x4b: {  	_ =	shalt  }
0x4c: {  	_ =	shalt  }
0x4d: {  	_ =	shalt  }
0x4e: {  	_ =	shalt  }
0x4f: {  	_ =	shalt  }
0x50: {  	_ =	shalt  }
0x51: {  	_ =	shalt  }
0x52: {  	_ =	shalt  }
0x53: {  	_ =	shalt  }
0x54: {  	_ =	shalt  }
0x55: {  	_ =	shalt  }
0x56: {  	_ =	shalt  }
0x57: {  	_ =	shalt  }
0x58: {  	_ =	shalt  }
0x59: {  	_ =	shalt  }
0x5a: {  	_ =	shalt  }
0x5b: {  	_ =	shalt  }
0x5c: {  	_ =	shalt  }
0x5d: {  	_ =	shalt  }
0x5e: {  	_ =	shalt  }
0x5f: {  	_ =	shalt  }
0x60: {  	_ =	shalt  }
0x61: {  	_ =	shalt  }
0x62: {  	_ =	shalt  }
0x63: {  	_ =	shalt  }
0x64: {  	_ =	shalt  }
0x65: {  	_ =	shalt  }
0x66: {  	_ =	shalt  }
0x67: {  	_ =	shalt  }
0x68: {  	_ =	shalt  }
0x69: {  	_ =	shalt  }
0x6a: {  	_ =	shalt  }
0x6b: {  	_ =	shalt  }
0x6c: {  	_ =	shalt  }
0x6d: {  	_ =	shalt  }
0x6e: {  	_ =	shalt  }
0x6f: {  	_ =	shalt  }
0x70: {  	_ =	shalt  }
0x71: {  	_ =	shalt  }
0x72: {  	_ =	shalt  }
0x73: {  	_ =	shalt  }
0x74: {  	_ =	shalt  }
0x75: {  	_ =	shalt  }
0x76: {  	_ =	shalt  }
0x77: {  	_ =	shalt  }
0x78: {  	_ =	shalt  }
0x79: {  	_ =	shalt  }
0x7a: {  	_ =	shalt  }
0x7b: {  	_ =	shalt  }
0x7c: {  	_ =	shalt  }
0x7d: {  	_ =	shalt  }
0x7e: {  	_ =	shalt  }
0x7f: {  	_ =	shalt  }
0x80: {  	_ =	shalt  }
0x81: {  	_ =	shalt  }
0x82: {  	_ =	shalt  }
0x83: {  	_ =	shalt  }
0x84: {  	_ =	shalt  }
0x85: {  	_ =	shalt  }
0x86: {  	_ =	shalt  }
0x87: {  	_ =	shalt  }
.Lfunc_end0:
.L_simem_size_0:
called_computation.2_lowered:
.L_overlay_start_0:
0x88: {  	s2 =	sld [smem:$0x3FD9]  }
0x89: {  	s3 =	sld [smem:$0x3FFE];
	_ =	sdelay $0x1  }
0x8a: {  	s1 =	srdreg.scid  }
0x8b: {  	s0 =	sand.u32 $0x1, s1  }
0x8c: {  	s18 =	sshll.u32 s0, $0xA;
	s2 =	sadd.s32 s3, s2  }
0x8d: {  	s2 =	sadd.s32 s2, s18  }
0x8e: {  	[smem:$0x3FC6] =	sst s2  }
0x8f: {  	_ = 	snop  }
0x90: {  	s2 =	sld [smem:$0x3FD0];
	(tm) =	ssettm $0x1  }
0x91: {  	s19 =	sld [smem:$0x3FFB];
	_ =	sdelay $0x3  }
0x92: {  	_ =	strace s19  }
0x93: {  	s3 =	sld [smem:$0x3FFC];
	_ =	sdelay $0x3  }
0x94: {  	_ =	strace s3  }
0x95: {  	s3 =	sld [smem:$0x3FFD];
	_ =	sdelay $0x3  }
0x96: {  	_ =	strace s3  }
0x97: {  	_ =	strace $0x8FFFFFFF  }
0x98: {  	s20 =	sld [smem:$0x3FDB];
	_ =	sdelay $0x1  }
0x99: {  	s4 =	simm.s32 $_scs_section_size  }
0x9a: {  	s5 =	simm.s32 $_size__tile_overlayer_lowered;
	s6 =	simm.s32 $_tile_overlayer_lowered  }
0x9b: {  	s23 =	simm.s32 $0x1BFF;
	s22 =	sshll.u32 s6, $0x1;
	s3 =	sadd.s32 s4, s20  }
0x9c: {  	s7 =	simm.s32 $0x0;
	s21 =	sshll.u32 s5, $0x1;
	s5 =	sadd.s32 s22, s3  }
0x9d: {  	[timem:s7], [sflag:s23] =	dma.local [hbm:s5], s21  }
0x9e: {  	_ =	swait.ge [sflag:s23], s21  }
0x9f: {  	s4 =	ssub.s32 $0x0, s21;
	[sflag:s23] =	ssyncset.done $0x0  }
0xa0: {  	[sflag:s23] =	ssyncadd.s32 s4;
	_ =	sdelay $0x1  }
0xa1: {  	s24 =	simm.s32 $0x1B8B  }
0xa2: {  	_ =	swait.ge [sflag:s24], $0x1  }
0xa3: {  	[sflag:s24] =	ssyncset.done $0x0  }
0xa4: {  	s25 =	simm.s32 $0x1B8E;
	[sflag:s24] =	ssyncadd.s32 $0xFFFFFFFF  }
0xa5: {  	s26 =	simm.s32 $execute0_lowered;
	[smem:$0x3FD2] =	sst s25  }
0xa6: {  	s4 =	sshll.u32 s26, $0x1;
	_ =	strace $0x80000049;
	[dreg:$0x1] =	wrdreg $0xFFFFFFFF  }
0xa7: {  	s28 =	simm.s32 $_size_execute0_lowered;
	s3 =	sadd.s32 s3, s4;
	[dreg:$0x0] =	wrdreg $0x0  }
0xa8: {  	s4 =	sshll.u32 s28, $0x1;
	[dreg:$0x2] =	wrdreg s3  }
0xa9: {  	[dreg:$0x3] =	wrdreg s4  }
0xaa: {  	[dreg:$0x4] =	wrdreg $0xC0  }
0xab: {  	_ =	task [dreg:s7], $0x5FFFF  }
0xac: {  	[dreg:$0x1] =	wrdreg $0xFFFFFFFF  }
0xad: {  	[dreg:$0x0] =	wrdreg $0x60  }
0xae: {  	[dreg:$0x2] =	wrdreg s2  }
0xaf: {  	[dreg:$0x3] =	wrdreg $0x9  }
0xb0: {  	_ =	task.clear_ibuf [dreg:s7], $0x4FFFF;
	_ =	strace $0x90000049  }
0xb1: {  	s29 =	simm.s32 $0x9;
	_ =	strace $0x8000004B  }
0xb2: {  	_ =	swait.ge [sflag:s29], $0x1  }
0xb3: {  	[sflag:s29] =	ssyncadd.s32 $0xFFFFFFFF  }
0xb4: {  	_ =	strace $0x9000004B  }
0xb5: {  	_ =	sfence  }
0xb6: {  	s30 =	sld [smem:$0x0];
	_ =	sdelay $0x2  }
0xb7: {  	s31 =	sshll.u32 s1, $0xD;
	s1 =	sshrl.u32 s1, $0x2  }
0xb8: {  	s3 =	sand.u32 $0x4000, s31;
	s1 =	sadd.s32 s1, s30  }
0xb9: {  	s0 =	sor.u32 s3, s0;
	s1 =	sshll.u32 s1, $0x11  }
0xba: {  	s0 =	sor.u32 s1, s0  }
0xbb: {  	s0 =	sadd.s32 $0x8F2B, s0  }
0xbc: {  	[sflag:s0] =	ssyncadd.remote.s32 $0x1  }
0xbd: {  	_ =	sfence.sel $0xFFFF  }
0xbe: {  	[dreg:$0x0] =	wrdreg $0xFFFFFFFF;
	(pc) =	sbr.abs _section_cstart, $3  }
0xbf: {  	[dreg:$0x1] =	wrdreg $0xFFFFFFFF  }
0xc0: {  	_ =	task.clear_ibuf [dreg:s7], $0x2FFFF;
	_ =	strace $0x9FFFFFFF  }
0xc1: {  	(tm) =	ssettm $0x7FFFFFFF  }
tec
execute0_lowered:
.L_overlay_start_1:
0x0: {  	(tag) =	ssettag $0x1  }
0x1: {  	s0 =	srdreg.scid  }
0x2: {  	s0 =	sand.u32 $0x1, s0  }
0x3: {  	s2 =	ssub.s32 $0x2, s0  }
0x4: {  	s3 =	sshrl.u32 s2, $0x1  }
0x5: {  	s2 =	ssub.s32 s2, s3  }
0x6: {  	s5 =	smax.u32 s2, $0x1  }
0x7: {  	s1 =	rddreg [dreg:$0x0];
	s4 =	simm.s32 $0x0;
	p0 =	sne.s32 s5, $0x1  }
.Ltmp0:
0x8: {  	s0 =	rddreg [dreg:$0x1];
	_ =	strace $0x8000004A;
	(pc) =	sbr.rel @!p0 .LBB2_2-.Ltmp0, $4  }
0x9: {  	[tilespmem:s4], [sflag:$0x1] =	stream.linear.gather [hbm4b:s1+s4], $0x10, $0x38;
	[tilespmem:$0x10] =	vst v63  }
0xa: {  	s3 =	simm.s32 $0x1  }
0xb: {  	_ =	swait.ge [sflag:s3], $0x10  }
0xc: {  	s2 =	stileid.u32;
	s5 =	sadd.s32 $0xFFFFFFFF, s5;
	[sflag:s3] =	ssyncset.done $0x0  }
.LBB2_1:
0xd: {  	p0 =	sne.s32 s5, $0x1;
	s5 =	sadd.s32 $0xFFFFFFFF, s5;
	[sflag:s3] =	ssyncadd.s32 $0xFFFFFFF0  }
.Ltmp1:
0xe: {  	(pc) =	sbr.rel @p0 .LBB2_1-.Ltmp1, $4  }
0xf: {  	_ = 	snop  }
0x10: {  	[tilespmem:s4], [sflag:$0x1] =	stream.linear.gather [hbm4b:s1+s4], $0x10, $0x38;
	[tilespmem:$0x10] =	vst v63  }
0x11: {  	_ =	swait.ge [sflag:s3], $0x10  }
0x12: {  	[sflag:s3] =	ssyncset.done $0x0  }
.LBB2_2:
0x13: {  	[sflag:s3] =	ssyncadd.s32 $0xFFFFFFF0  }
0x14: {  	_ =	sfence.sel $0x180000  }
0x15: {  	[bflag:$0x0] =	sbarrier.arrive $0xFFFF  }
0x16: {  	p0 =	sne.s32 s2, $0x0;
	_ =	strace $0x9000004A  }
0x17: {  	s0 =	sadd.s32 @!p0 $0x100000, s0;
	[bflag:$0x2] =	sbarrier.arrive $0xFFFF  }
0x18: {  	[sflag:s0] =	ssyncadd.tile.s32 @!p0 $0x1;
	_ =	shalt  }
.Lfunc_end2:
_tile_overlayer_lowered:
.L_overlay_start_2:
0x19: {  	(tag) =	ssettag $0x2  }
0x1a: {  	s0 =	rddreg [dreg:$0x0];
	s2 =	stileid.u32  }
0x1b: {  	s1 =	rddreg [dreg:$0x1];
	p0 =	sne.s32 s2, $0x0  }
0x1c: {  	s3 =	rddreg [dreg:$0x2];
	[bflag:$0x3] =	sbarrier.arrive $0xFFFF;
	s2 =	simm.s32 @!p0 $0x1C01  }
0x1d: {  	[timem:s3], [sflag:s2] =	dma.local @!p0 [hbm:s0], s1  }
0x1e: {  	s0 =	simm.s32 @!p0 $0x1  }
0x1f: {  	_ =	swait.ge @!p0 [sflag:s0], s1  }
0x20: {  	s1 =	ssub.s32 @!p0 $0x0, s1;
	[sflag:s0] =	ssyncset.done @!p0 $0x0  }
0x21: {  	[sflag:s0] =	ssyncadd.s32 @!p0 s1  }
0x22: {  	[bflag:$0x3] =	sbarrier.arrive $0xFFFF  }
0x23: {  	_ =	shalt  }

// kernel: sparse-core-data-format-call.1.cloned.1.call-start
scs
called_computation.1_lowered:
.L_overlay_start_0:
0x0: {  	s2 =	sld [smem:$0x3FD9]  }
0x1: {  	s3 =	sld [smem:$0x3FFE];
	_ =	sdelay $0x1  }
0x2: {  	s1 =	srdreg.scid  }
0x3: {  	s0 =	sand.u32 $0x1, s1  }
0x4: {  	s18 =	sshll.u32 s0, $0xA;
	s2 =	sadd.s32 s3, s2  }
0x5: {  	s2 =	sadd.s32 s2, s18  }
0x6: {  	[smem:$0x3FC6] =	sst s2  }
0x7: {  	_ = 	snop  }
0x8: {  	s2 =	sld [smem:$0x3FD0];
	(tm) =	ssettm $0x1  }
0x9: {  	s19 =	sld [smem:$0x3FFB];
	_ =	sdelay $0x3  }
0xa: {  	_ =	strace s19  }
0xb: {  	s3 =	sld [smem:$0x3FFC];
	_ =	sdelay $0x3  }
0xc: {  	_ =	strace s3  }
0xd: {  	s3 =	sld [smem:$0x3FFD];
	_ =	sdelay $0x3  }
0xe: {  	_ =	strace s3  }
0xf: {  	_ =	strace $0x8FFFFFFF  }
0x10: {  	s20 =	sld [smem:$0x3FDB];
	_ =	sdelay $0x1  }
0x11: {  	s4 =	simm.s32 $_scs_section_size  }
0x12: {  	s5 =	simm.s32 $_size__tile_overlayer_lowered;
	s6 =	simm.s32 $_tile_overlayer_lowered  }
0x13: {  	s23 =	simm.s32 $0x1BFF;
	s22 =	sshll.u32 s6, $0x1;
	s3 =	sadd.s32 s4, s20  }
0x14: {  	s7 =	simm.s32 $0x0;
	s21 =	sshll.u32 s5, $0x1;
	s5 =	sadd.s32 s22, s3  }
0x15: {  	[timem:s7], [sflag:s23] =	dma.local [hbm:s5], s21  }
0x16: {  	_ =	swait.ge [sflag:s23], s21  }
0x17: {  	s4 =	ssub.s32 $0x0, s21;
	[sflag:s23] =	ssyncset.done $0x0  }
0x18: {  	[sflag:s23] =	ssyncadd.s32 s4;
	_ =	sdelay $0x1  }
0x19: {  	s24 =	simm.s32 $0x1B8B  }
0x1a: {  	_ =	swait.ge [sflag:s24], $0x1  }
0x1b: {  	[sflag:s24] =	ssyncset.done $0x0  }
0x1c: {  	s26 =	simm.s32 $0x1B8E;
	s25 =	sld [smem:$0x3FFE];
	[sflag:s24] =	ssyncadd.s32 $0xFFFFFFFF  }
0x1d: {  	s27 =	simm.s32 $execute0_lowered;
	[smem:$0x3FD2] =	sst s26  }
0x1e: {  	s5 =	sshll.u32 s27, $0x1;
	_ =	strace $0x80000046;
	[dreg:$0x1] =	wrdreg $0xFFFFFFFF  }
0x1f: {  	s28 =	simm.s32 $_size_execute0_lowered;
	s3 =	sadd.s32 s3, s5;
	[dreg:$0x0] =	wrdreg $0x0  }
0x20: {  	s5 =	sshll.u32 s28, $0x1;
	[dreg:$0x2] =	wrdreg s3  }
0x21: {  	[dreg:$0x3] =	wrdreg s5  }
0x22: {  	[dreg:$0x4] =	wrdreg $0xC0  }
0x23: {  	_ =	task [dreg:s7], $0x5FFFF  }
0x24: {  	[dreg:$0x1] =	wrdreg $0xFFFFFFFF  }
0x25: {  	[dreg:$0x0] =	wrdreg $0x60  }
0x26: {  	[dreg:$0x2] =	wrdreg s2  }
0x27: {  	[dreg:$0x3] =	wrdreg s25  }
0x28: {  	[dreg:$0x4] =	wrdreg $0x9  }
0x29: {  	_ =	task.clear_ibuf [dreg:s7], $0x5FFFF;
	_ =	strace $0x90000046  }
0x2a: {  	s29 =	simm.s32 $0x9;
	_ =	strace $0x80000048  }
0x2b: {  	_ =	swait.ge [sflag:s29], $0x1  }
0x2c: {  	[sflag:s29] =	ssyncadd.s32 $0xFFFFFFFF  }
0x2d: {  	_ =	strace $0x90000048  }
0x2e: {  	_ =	sfence  }
0x2f: {  	s30 =	sld [smem:$0x0];
	_ =	sdelay $0x2  }
0x30: {  	s31 =	sshll.u32 s1, $0xD;
	s1 =	sshrl.u32 s1, $0x2  }
0x31: {  	s3 =	sand.u32 $0x4000, s31;
	s1 =	sadd.s32 s1, s30  }
0x32: {  	s0 =	sor.u32 s3, s0;
	s1 =	sshll.u32 s1, $0x11  }
0x33: {  	s0 =	sor.u32 s1, s0  }
0x34: {  	s0 =	sadd.s32 $0x8F2B, s0  }
0x35: {  	[sflag:s0] =	ssyncadd.remote.s32 $0x1  }
0x36: {  	_ =	sfence.sel $0xFFFF  }
0x37: {  	[dreg:$0x0] =	wrdreg $0xFFFFFFFF;
	(pc) =	sbr.abs _section_cstart, $3  }
0x38: {  	[dreg:$0x1] =	wrdreg $0xFFFFFFFF  }
0x39: {  	_ =	task.clear_ibuf [dreg:s7], $0x2FFFF;
	_ =	strace $0x9FFFFFFF  }
0x3a: {  	(tm) =	ssettm $0x7FFFFFFF  }
0x3b: {  	_ =	shalt  }
tec
execute0_lowered:
.L_overlay_start_1:
0x0: {  	(tag) =	ssettag $0x1  }
0x1: {  	s0 =	stileid.u32;
	s1 =	srdreg.scid  }
0x2: {  	s7 =	rddreg [dreg:$0x1];
	s31 =	simm.s32 $0x2;
	s15 =	simm.s32 $0x0  }
0x3: {  	s10 =	simm.s32 $0x80000;
	s2 =	sshll.u32 s0, $0x3;
	s1 =	sshll.u32 s1, $0x7  }
0x4: {  	s11 =	simm.s32 $0x0;
	s16 =	simm.s32 $0x0;
	s1 =	sor.u32 s2, s1  }
0x5: {  	s14 =	simm.s32 $0x0;
	s3 =	sand.u32 $0x1, s0;
	s1 =	sand.u32 $0xF0, s1  }
0x6: {  	s7 =	sadd.s32 $0x2000, s7;
	s5 =	ssub.s32 $0x2, s3;
	s4 =	ssub.s32 $0x1000, s1  }
0x7: {  	s2 =	rddreg [dreg:$0x0];
	s8 =	sshrl.u32 s5, $0x1;
	s6 =	sand.u32 $0xF0, s4  }
0x8: {  	s5 =	sand.u32 $0x1, s5;
	p0 =	sne.s32 s6, $0x0;
	s6 =	simm.s32 $0x1  }
.Ltmp0:
0x9: {  	s9 =	sshrl.u32 s4, $0x8;
	s6 =	simm.s32 @!p0 $0x0;
	(pc) =	sbr.rel .LBB1_1-.Ltmp0, $4  }
0xa: {  	s8 =	sadd.s32 s5, s8;
	s5 =	simm.s32 $0x1;
	s6 =	sadd.s32 s6, s9  }
0xb: {  	s4 =	rddreg [dreg:$0x2];
	_ =	strace $0x80000047;
	s6 =	smul.u32 s8, s6  }
0xc: {  	s13 =	smov.u32 s3;
	s12 =	smov.u32 s1;
	[sflag:s5] =	ssyncpa.u1 $0x0  }
0xd: {  	[sflag:s31] =	ssyncpa.u1 $0x0;
	s9 =	simm.s32 $0x800;
	s8 =	sadd.s32 $0x1, s6  }
.LBB1_7:
0xe: {  	s17 =	sadd.s32 $0x100, s12  }
0xf: {  	s15 =	sadd.s32 $0x2, s13;
	s19 =	smov.u32 s13;
	p1 =	sgt.s32 s17, $0xFFF  }
0x10: {  	s19 =	smov.u32 @p1 s15  }
0x11: {  	s17 =	smov.u32 @p1 s1;
	p1 =	sgt.s32 s19, $0x1  }
0x12: {  	s19 =	smov.u32 @p1 s3;
	p1 =	sne.s32 s14, s8  }
.Ltmp1:
0x13: {  	p0 =	slt.u32 s14, $0x2;
	(pc) =	sbr.rel @!p1 .LBB1_8-.Ltmp1, $4  }
0x14: {  	s18 =	simm.s32 @!p0 $0x2  }
0x15: {  	s16 =	smov.u32 s13;
	s11 =	sadd.s32 $0x4000, s11;
	_ =	swait.ge @!p0 [sflag:s18], $0x4000  }
0x16: {  	s15 =	smov.u32 s12;
	[sflag:s18] =	ssyncset.done @!p0 $0x0;
	s12 =	smov.u32 s17  }
0x17: {  	s14 =	sadd.s32 $0x1, s14;
	[sflag:s18] =	ssyncadd.s32 @!p0 $0xFFFFC000;
	s13 =	smov.u32 s19  }
.LBB1_1:
0x18: {  	p0 =	sge.u32 s14, s6  }
0x19: {  	s31 =	sadd.s32 $0xFFFFFFFF, s14;
	s17 =	sxor.u32 @!p0 $0xFFFFFFFF, s14;
	s18 =	sshll.u32 @!p0 s13, $0x13  }
0x1a: {  	s19 =	sshll.u32 @!p0 s12, $0x7;
	s17 =	sshll.u32 @!p0 s17, $0xE;
	s18 =	sadd.s32 @!p0 s2, s18  }
0x1b: {  	s17 =	sand.u32 @!p0 $0x4000, s17;
	s18 =	sadd.s32 @!p0 s19, s18;
	s19 =	simm.s32 @!p0 $0x0  }
0x1c: {  	[tilespmem:s17], [sflag:$0x1] =	stream.linear.gather @!p0 [hbm4b:s18+s19], $0x4000, $0x38;
	[tilespmem:$0x10000] =	vst v63  }
0x1d: {  	p0 =	sge.u32 s31, s6  }
.Ltmp2:
0x1e: {  	_ = 	snop;
	(pc) =	sbr.rel @p0 .LBB1_7-.Ltmp2, $1  }
0x1f: {  	_ =	sdelay $0x3  }
0x20: {  	s18 =	sand.u32 $0x4000, s11  }
0x21: {  	_ =	swait.ge [sflag:s5], $0x4000;
	s20 =	sshll.u32 s14, $0xE;
	s17 =	sor.u32 $0x8040, s18  }
0x22: {  	s19 =	sor.u32 $0x40, s18;
	[sflag:s5] =	ssyncset.done $0x0;
	s31 =	sand.u32 $0x4000, s20  }
0x23: {  	s20 =	simm.s32 $0x0;
	[sflag:s5] =	ssyncadd.s32 $0xFFFFC000;
	s18 =	sor.u32 $0x8000, s31  }
.LBB1_3:
0x24: {  	v0 =	vmov s19;
	_ =	sdelay $0x3  }
0x25: {  	s22 =	simm.s32 $0x0  }
0x26: {  	v6 =	vld.idx.msk [tilespmem:v0+s22+$0x30 ss:$0x1], $0xffff  }
0x27: {  	v7 =	vld.idx.msk [tilespmem:v0+s22+$0xFFFFFFC0 ss:$0x1], $0xffff  }
0x28: {  	v5 =	vld.idx.msk [tilespmem:v0+s22+$0xFFFFFFD0 ss:$0x1], $0xffff  }
0x29: {  	v4 =	vld.idx.msk [tilespmem:v0+s22+$0xFFFFFFE0 ss:$0x1], $0xffff  }
0x2a: {  	v3 =	vld.idx.msk [tilespmem:v0+s22+$0xFFFFFFF0 ss:$0x1], $0xffff  }
0x2b: {  	v1 =	vld.idx.msk [tilespmem:v0+s22+$0x0 ss:$0x1], $0xffff  }
0x2c: {  	v2 =	vld.idx.msk [tilespmem:v0+s22+$0x10 ss:$0x1], $0xffff;
	[tilespmem:s17+$0x30] =	vst v6  }
0x2d: {  	s21 =	simm.s32 $0x80;
	s23 =	simm.s32 $0x400;
	[tilespmem:s17+$0xFFFFFFC0] =	vst v7;
	v6 =	vld.idx.msk [tilespmem:v0+s22+$0x20 ss:$0x1], $0xffff;
	s22 =	smov.u32 s17  }
.LBB1_4:
0x2e: {  	p0 =	sne.s32 s23, $0xE00;
	v7 =	vld.idx.msk [tilespmem:v0+s21+$0x30 ss:$0x1], $0xffff;
	[tilespmem:s22+$0xFFFFFFD0] =	vst v5  }
0x2f: {  	v8 =	vld.idx.msk [tilespmem:v0+s21+$0xFFFFFFC0 ss:$0x1], $0xffff;
	[tilespmem:s22+$0xFFFFFFE0] =	vst v4  }
0x30: {  	v5 =	vld.idx.msk [tilespmem:v0+s21+$0xFFFFFFD0 ss:$0x1], $0xffff;
	[tilespmem:s22+$0xFFFFFFF0] =	vst v3  }
.Ltmp3:
0x31: {  	v4 =	vld.idx.msk [tilespmem:v0+s21+$0xFFFFFFE0 ss:$0x1], $0xffff;
	[tilespmem:s22+$0x0] =	vst v1;
	(pc) =	sbr.rel @p0 .LBB1_4-.Ltmp3, $4  }
0x32: {  	v3 =	vld.idx.msk [tilespmem:v0+s21+$0xFFFFFFF0 ss:$0x1], $0xffff;
	[tilespmem:s22+$0x10] =	vst v2  }
0x33: {  	v1 =	vld.idx.msk [tilespmem:v0+s21+$0x0 ss:$0x1], $0xffff;
	[tilespmem:s22+$0x20] =	vst v6;
	s22 =	sadd.s32 $0x800, s22  }
0x34: {  	v2 =	vld.idx.msk [tilespmem:v0+s21+$0x10 ss:$0x1], $0xffff;
	[tilespmem:s22+$0x30] =	vst v7  }
0x35: {  	[tilespmem:s22+$0xFFFFFFC0] =	vst v8;
	v6 =	vld.idx.msk [tilespmem:v0+s21+$0x20 ss:$0x1], $0xffff;
	s21 =	sshra.s32 s23, $0x2;
	s23 =	sadd.s32 $0x200, s23  }
0x36: {  	_ =	sdelay $0x2  }
0x37: {  	[tilespmem:s22+$0xFFFFFFD0] =	vst v5  }
0x38: {  	v56 =	vld.idx.msk [tilespmem:v0+s21+$0x30 ss:$0x1], $0xffff;
	[tilespmem:s22+$0xFFFFFFE0] =	vst v4  }
0x39: {  	v57 =	vld.idx.msk [tilespmem:v0+s21+$0xFFFFFFC0 ss:$0x1], $0xffff;
	[tilespmem:s22+$0xFFFFFFF0] =	vst v3  }
0x3a: {  	v58 =	vld.idx.msk [tilespmem:v0+s21+$0xFFFFFFD0 ss:$0x1], $0xffff;
	[tilespmem:s22+$0x0] =	vst v1  }
0x3b: {  	v59 =	vld.idx.msk [tilespmem:v0+s21+$0xFFFFFFE0 ss:$0x1], $0xffff;
	[tilespmem:s22+$0x10] =	vst v2  }
0x3c: {  	v60 =	vld.idx.msk [tilespmem:v0+s21+$0xFFFFFFF0 ss:$0x1], $0xffff;
	s31 =	sadd.s32 $0x800, s22;
	[tilespmem:s22+$0x20] =	vst v6  }
0x3d: {  	v61 =	vld.idx.msk [tilespmem:v0+s21+$0x0 ss:$0x1], $0xffff;
	[tilespmem:s31+$0x30] =	vst v56  }
0x3e: {  	v62 =	vld.idx.msk [tilespmem:v0+s21+$0x10 ss:$0x1], $0xffff;
	s20 =	sadd.s32 $0x1, s20;
	[tilespmem:s31+$0xFFFFFFC0] =	vst v57  }
0x3f: {  	v63 =	vld.idx.msk [tilespmem:v0+s21+$0x20 ss:$0x1], $0xffff;
	p0 =	sne.s32 s20, $0x10;
	[tilespmem:s31+$0xFFFFFFD0] =	vst v58  }
.Ltmp4:
0x40: {  	[tilespmem:s31+$0xFFFFFFE0] =	vst v59;
	(pc) =	sbr.rel @p0 .LBB1_3-.Ltmp4, $4  }
0x41: {  	[tilespmem:s31+$0xFFFFFFF0] =	vst v60  }
0x42: {  	[tilespmem:s31+$0x0] =	vst v61  }
0x43: {  	[tilespmem:s31+$0x10] =	vst v62  }
0x44: {  	s17 =	sadd.s32 $0x80, s17;
	s19 =	sadd.s32 $0x400, s19;
	[tilespmem:s31+$0x20] =	vst v63  }
.Ltmp5:
0x45: {  	(pc) =	sbr.rel .LBB1_7-.Ltmp5, $4  }
0x46: {  	s16 =	sshll.u32 s16, $0x13;
	s15 =	sshll.u32 s15, $0x4  }
0x47: {  	s15 =	sand.u32 $0xFFF0, s15;
	s16 =	sadd.s32 s7, s16  }
0x48: {  	s15 =	sadd.s32 s15, s16  }
0x49: {  	[hbm4b:s15+s9] =	stream.strided.scatter [tilespmem:s18], [sflag:$0x2], $0x4000, s10, s9, $0x38;
	[tilespmem:$0x10000] =	vst v63  }
.LBB1_8:
0x4a: {  	_ =	sfence.sel $0x180000  }
0x4b: {  	s1 =	simm.s32 $0x1;
	[bflag:$0x0] =	sbarrier.arrive $0xFFFF  }
0x4c: {  	s31 =	simm.s32 $0x2;
	[sflag:s1] =	ssyncpa.u1 $0x1  }
0x4d: {  	[sflag:s31] =	ssyncpa.u1 $0x1  }
0x4e: {  	p0 =	sne.s32 s0, $0x0;
	_ =	strace $0x90000047  }
0x4f: {  	s0 =	sadd.s32 @!p0 $0x100000, s4;
	[bflag:$0x2] =	sbarrier.arrive $0xFFFF  }
0x50: {  	[sflag:s0] =	ssyncadd.tile.s32 @!p0 $0x1;
	_ =	shalt  }
.Lfunc_end1:
_tile_overlayer_lowered:
.L_overlay_start_2:
0x51: {  	(tag) =	ssettag $0x2  }
0x52: {  	s0 =	rddreg [dreg:$0x0];
	s2 =	stileid.u32  }
0x53: {  	s1 =	rddreg [dreg:$0x1];
	p0 =	sne.s32 s2, $0x0  }
0x54: {  	s3 =	rddreg [dreg:$0x2];
	[bflag:$0x3] =	sbarrier.arrive $0xFFFF;
	s2 =	simm.s32 @!p0 $0x1C01  }
0x55: {  	[timem:s3], [sflag:s2] =	dma.local @!p0 [hbm:s0], s1  }
0x56: {  	s0 =	simm.s32 @!p0 $0x1  }
0x57: {  	_ =	swait.ge @!p0 [sflag:s0], s1  }
0x58: {  	s1 =	ssub.s32 @!p0 $0x0, s1;
	[sflag:s0] =	ssyncset.done @!p0 $0x0  }
0x59: {  	[sflag:s0] =	ssyncadd.s32 @!p0 s1  }
0x5a: {  	[bflag:$0x3] =	sbarrier.arrive $0xFFFF  }
0x5b: {  	_ =	shalt  }

// kernel: sparse-core-data-format-call.cloned.1.call-start
scs
called_computation_lowered:
.L_overlay_start_0:
0x0: {  	s1 =	sld [smem:$0x3FD9]  }
0x1: {  	s2 =	sld [smem:$0x3FFE];
	_ =	sdelay $0x1  }
0x2: {  	s3 =	srdreg.scid  }
0x3: {  	s0 =	sand.u32 $0x1, s3  }
0x4: {  	s17 =	sshll.u32 s0, $0xA;
	s1 =	sadd.s32 s2, s1  }
0x5: {  	s1 =	sadd.s32 s1, s17  }
0x6: {  	[smem:$0x3FC6] =	sst s1  }
0x7: {  	_ = 	snop  }
0x8: {  	(tm) =	ssettm $0x1  }
0x9: {  	s18 =	sld [smem:$0x3FFB];
	_ =	sdelay $0x3  }
0xa: {  	_ =	strace s18  }
0xb: {  	s1 =	sld [smem:$0x3FFC];
	_ =	sdelay $0x3  }
0xc: {  	_ =	strace s1  }
0xd: {  	s1 =	sld [smem:$0x3FFD];
	_ =	sdelay $0x3  }
0xe: {  	_ =	strace s1  }
0xf: {  	_ =	strace $0x8FFFFFFF  }
0x10: {  	s19 =	sld [smem:$0x3FDB];
	_ =	sdelay $0x1  }
0x11: {  	s20 =	simm.s32 $_scs_section_size  }
0x12: {  	s4 =	simm.s32 $_size__tile_overlayer_lowered;
	s5 =	simm.s32 $_tile_overlayer_lowered  }
0x13: {  	s23 =	simm.s32 $0x1BFF;
	s22 =	sshll.u32 s5, $0x1;
	s1 =	sadd.s32 s20, s19  }
0x14: {  	s6 =	simm.s32 $0x0;
	s21 =	sshll.u32 s4, $0x1;
	s4 =	sadd.s32 s22, s1  }
0x15: {  	[timem:s6], [sflag:s23] =	dma.local [hbm:s4], s21  }
0x16: {  	_ =	swait.ge [sflag:s23], s21  }
0x17: {  	s2 =	ssub.s32 $0x0, s21;
	[sflag:s23] =	ssyncset.done $0x0  }
0x18: {  	[sflag:s23] =	ssyncadd.s32 s2;
	_ =	sdelay $0x1  }
0x19: {  	s24 =	simm.s32 $0x1B8B  }
0x1a: {  	_ =	swait.ge [sflag:s24], $0x1  }
0x1b: {  	[sflag:s24] =	ssyncset.done $0x0  }
0x1c: {  	s26 =	simm.s32 $0x1B8E;
	s25 =	sld [smem:$0x3FFE];
	[sflag:s24] =	ssyncadd.s32 $0xFFFFFFFF  }
0x1d: {  	s27 =	simm.s32 $execute0_lowered;
	[smem:$0x3FD2] =	sst s26  }
0x1e: {  	s4 =	sshll.u32 s27, $0x1;
	_ =	strace $0x8000004C;
	[dreg:$0x1] =	wrdreg $0xFFFFFFFF  }
0x1f: {  	s28 =	simm.s32 $_size_execute0_lowered;
	s1 =	sadd.s32 s1, s4;
	[dreg:$0x0] =	wrdreg $0x0  }
0x20: {  	s4 =	sshll.u32 s28, $0x1;
	[dreg:$0x2] =	wrdreg s1  }
0x21: {  	[dreg:$0x3] =	wrdreg s4  }
0x22: {  	[dreg:$0x4] =	wrdreg $0xC0  }
0x23: {  	_ =	task [dreg:s6], $0x5FFFF  }
0x24: {  	[dreg:$0x1] =	wrdreg $0xFFFFFFFF  }
0x25: {  	[dreg:$0x0] =	wrdreg $0x60  }
0x26: {  	[dreg:$0x2] =	wrdreg s25  }
0x27: {  	[dreg:$0x3] =	wrdreg $0x9  }
0x28: {  	_ =	task.clear_ibuf [dreg:s6], $0x4FFFF;
	_ =	strace $0x9000004C  }
0x29: {  	s29 =	simm.s32 $0x9;
	_ =	strace $0x8000004E  }
0x2a: {  	_ =	swait.ge [sflag:s29], $0x1  }
0x2b: {  	[sflag:s29] =	ssyncadd.s32 $0xFFFFFFFF  }
0x2c: {  	_ =	strace $0x9000004E  }
0x2d: {  	_ =	sfence  }
0x2e: {  	s30 =	sld [smem:$0x0];
	_ =	sdelay $0x2  }
0x2f: {  	s31 =	sshll.u32 s3, $0xD;
	s3 =	sshrl.u32 s3, $0x2  }
0x30: {  	s2 =	sand.u32 $0x4000, s31;
	s1 =	sadd.s32 s3, s30  }
0x31: {  	s0 =	sor.u32 s2, s0;
	s1 =	sshll.u32 s1, $0x11  }
0x32: {  	s0 =	sor.u32 s1, s0  }
0x33: {  	s0 =	sadd.s32 $0x8F2B, s0  }
0x34: {  	[sflag:s0] =	ssyncadd.remote.s32 $0x1  }
0x35: {  	_ =	sfence.sel $0xFFFF  }
0x36: {  	[dreg:$0x0] =	wrdreg $0xFFFFFFFF;
	(pc) =	sbr.abs _section_cstart, $3  }
0x37: {  	[dreg:$0x1] =	wrdreg $0xFFFFFFFF  }
0x38: {  	_ =	task.clear_ibuf [dreg:s6], $0x2FFFF;
	_ =	strace $0x9FFFFFFF  }
0x39: {  	(tm) =	ssettm $0x7FFFFFFF  }
tec
execute0_lowered:
.L_overlay_start_1:
0x0: {  	(tag) =	ssettag $0x1  }
0x1: {  	s3 =	rddreg [dreg:$0x0];
	s1 =	srdreg.scid  }
0x2: {  	s0 =	rddreg [dreg:$0x1];
	_ =	strace $0x8000004D;
	s4 =	simm.s32 $0x1  }
0x3: {  	s7 =	simm.s32 $0x2;
	s14 =	simm.s32 $0x0;
	p0 =	por $0x0, $0x0  }
0x4: {  	s15 =	simm.s32 $0x0;
	s9 =	simm.s32 $0x0;
	s1 =	sshll.u32 s1, $0x7  }
0x5: {  	s10 =	simm.s32 $0x0;
	s12 =	stileid.u32;
	s1 =	sand.u32 $0x80, s1  }
.Ltmp0:
0x6: {  	s13 =	simm.s32 $0x0;
	s6 =	ssub.s32 $0x100000, s1;
	(pc) =	sbr.rel .LBB1_1-.Ltmp0, $4  }
0x7: {  	s2 =	sadd.s32 $0x11162000, s3;
	s5 =	sadd.s32 $0x2000, s3;
	s31 =	sshrl.u32 s6, $0x7  }
0x8: {  	[sflag:s4] =	ssyncpa.u1 $0x0;
	s6 =	sshrl.u32 s6, $0x8;
	s8 =	sand.u32 $0x1, s31  }
0x9: {  	s3 =	stileid.u32;
	[sflag:s7] =	ssyncpa.u1 $0x0;
	s6 =	sadd.s32 s6, s8  }
0xa: {  	s11 =	smov.u32 s1;
	s8 =	simm.s32 $0x200000;
	s7 =	sadd.s32 $0x1, s6  }
.LBB1_4:
0xb: {  	p1 =	sgt.s32 s10, $0xF  }
0xc: {  	s18 =	smov.u32 s10;
	s19 =	sshra.s32 s10, $0x1F;
	s20 =	sand.u32 $0x78, s9  }
0xd: {  	s21 =	sshra.s32 s9, $0x1F;
	s22 =	sshll.u32 s9, $0x1;
	s25 =	sshll.u32 s10, $0x12  }
0xe: {  	s26 =	sshrl.u32 s9, $0x2;
	s18 =	simm.s32 @!p1 $0xF;
	s19 =	sand.u32 s19, s10  }
0xf: {  	p1 =	sgt.s32 s9, $0xFFF80;
	s18 =	ssub.s32 s18, s19;
	s19 =	smov.u32 s9  }
0x10: {  	s27 =	sand.u32 $0x7, s9;
	s21 =	sand.u32 s21, s9;
	s19 =	simm.s32 @!p1 $0xFFF80  }
0x11: {  	s22 =	sand.u32 $0xFFF00, s22;
	s18 =	sadd.s32 $0xFFFFFFF1, s18;
	s19 =	ssub.s32 s19, s21  }
0x12: {  	p1 =	sgt.s32 s18, $0x0;
	s18 =	sshll.u32 s18, $0x1;
	s21 =	sadd.s32 $0xFFF00080, s19  }
0x13: {  	s18 =	ssub.s32 $0x2, s18;
	s19 =	ssub.s32 $0x100000, s19;
	p2 =	sgt.s32 s21, $0x7F  }
0x14: {  	s20 =	sor.u32 s20, s22;
	s18 =	simm.s32 @p1 $0x0;
	s19 =	simm.s32 @p2 $0x0  }
0x15: {  	s21 =	sand.u32 $0x20000, s26;
	s18 =	smul.u32 s19, s18;
	s19 =	sadd.s32 s5, s25  }
0x16: {  	s28 =	sshll.u32 s27, $0x12;
	s20 =	sshrl.u32 s20, $0x3;
	s19 =	sadd.s32 s21, s19  }
0x17: {  	[tilespmem:s17+$0x0 ss:$0x81] =	vst.msk $0xffff, v0;
	s31 =	sor.u32 $0x100, s28;
	s29 =	sand.u32 $0x3FFFFFFE, s18;
	s30 =	sadd.s32 s20, s19  }
0x18: {  	[hbm4b:s30+s31] =	stream.strided.scatter [tilespmem:s16], [sflag:$0x2], s29, s8, s31, $0x20;
	[tilespmem:$0x4040] =	vst v63  }
.LBB1_5:
0x19: {  	p1 =	slt.u32 s13, $0x2  }
0x1a: {  	p2 =	sgt.s32 @!p1 s15, $0xF  }
0x1b: {  	s16 =	smov.u32 s15;
	s17 =	sshra.s32 @!p1 s15, $0x1F;
	p2 =	por !p2, p1  }
0x1c: {  	s18 =	sshra.s32 @!p1 s14, $0x1F;
	s16 =	simm.s32 @p2 $0xF;
	p2 =	sgt.s32 @!p1 s14, $0xFFF80  }
0x1d: {  	s15 =	sand.u32 @!p1 s17, s15;
	s17 =	smov.u32 s14;
	p2 =	por !p2, p1  }
0x1e: {  	s14 =	sand.u32 @!p1 s18, s14;
	s15 =	ssub.s32 @!p1 s16, s15;
	s17 =	simm.s32 @p2 $0xFFF80  }
0x1f: {  	s15 =	sadd.s32 @!p1 $0xFFFFFFF1, s15;
	s14 =	ssub.s32 @!p1 s17, s14  }
0x20: {  	s18 =	smov.u32 s12;
	s16 =	sshll.u32 @!p1 s15, $0x1;
	s17 =	sadd.s32 @!p1 $0xFFF00080, s14  }
0x21: {  	p2 =	sgt.s32 @!p1 s15, $0x0;
	s15 =	ssub.s32 @!p1 $0x2, s16;
	p3 =	sgt.s32 @!p1 s17, $0x7F  }
0x22: {  	p2 =	por !p2, p1;
	s14 =	ssub.s32 @!p1 $0x100000, s14;
	p3 =	por !p3, p1  }
0x23: {  	s16 =	sadd.s32 $0x100, s11;
	s15 =	simm.s32 @!p2 $0x0;
	s14 =	simm.s32 @!p3 $0x0  }
0x24: {  	p2 =	sgt.s32 s16, $0xFFFFF;
	s14 =	smul.u32 @!p1 s14, s15;
	s15 =	sadd.s32 $0x10, s12  }
0x25: {  	s18 =	smov.u32 @p2 s15  }
0x26: {  	s16 =	smov.u32 @p2 s1;
	p2 =	sgt.s32 s18, $0xF  }
0x27: {  	s18 =	smov.u32 @p2 s3;
	p2 =	sne.s32 s13, s7  }
.Ltmp1:
0x28: {  	p0 =	por !p0, !p0;
	s17 =	simm.s32 @!p1 $0x2;
	(pc) =	sbr.rel @!p2 .LBB1_6-.Ltmp1, $4  }
0x29: {  	s15 =	smov.u32 s10;
	s10 =	smov.u32 s12;
	s14 =	sand.u32 @!p1 $0x3FFFFFFE, s14  }
0x2a: {  	_ =	swait.ge @!p1 [sflag:s17], s14;
	s19 =	ssub.s32 @!p1 $0x0, s14;
	s14 =	smov.u32 s9  }
0x2b: {  	s13 =	sadd.s32 $0x1, s13;
	s9 =	smov.u32 s11;
	[sflag:s17] =	ssyncset.done @!p1 $0x0  }
0x2c: {  	s11 =	smov.u32 s16;
	s12 =	smov.u32 s18;
	[sflag:s17] =	ssyncadd.s32 @!p1 s19  }
.LBB1_1:
0x2d: {  	p1 =	sge.u32 s13, s6  }
0x2e: {  	s31 =	sadd.s32 $0xFFFFFFFF, s13;
	s16 =	sxor.u32 @!p1 $0xFFFFFFFF, s13  }
0x2f: {  	s17 =	sshll.u32 @!p1 s12, $0x18;
	s18 =	sshll.u32 @!p1 s11, $0x4;
	s19 =	simm.s32 @!p1 $0x80  }
0x30: {  	s16 =	sshll.u32 @!p1 s16, $0xC;
	s18 =	sand.u32 @!p1 $0xFFFFF0, s18;
	s17 =	sadd.s32 @!p1 s2, s17  }
0x31: {  	s16 =	sand.u32 @!p1 $0x1000, s16;
	s17 =	sadd.s32 @!p1 s18, s17;
	s18 =	simm.s32 @!p1 $0x20  }
0x32: {  	[tilespmem:s16], [sflag:$0x1] =	stream.strided.gather @!p1 [hbm4b:s17+s18], $0x1000, s19, s18, $0x38;
	[tilespmem:$0x4040] =	vst v63  }
0x33: {  	p1 =	sge.u32 s31, s6  }
.Ltmp2:
0x34: {  	_ = 	snop;
	(pc) =	sbr.rel @p1 .LBB1_5-.Ltmp2, $1  }
0x35: {  	_ =	sdelay $0x3  }
0x36: {  	s16 =	simm.s32 $0x1  }
0x37: {  	_ =	swait.ge [sflag:s4], $0x1000;
	s16 =	simm.s32 @!p0 $0x0  }
0x38: {  	[sflag:s4] =	ssyncset.done $0x0;
	s17 =	sshll.u32 s16, $0xC  }
0x39: {  	[sflag:s4] =	ssyncadd.s32 $0xFFFFF000;
	s20 =	sor.u32 $0x10, s17  }
0x3a: {  	s16 =	smul.u32 $0x4080, s16;
	v1 =	vld [tilespmem:s20+$0x0]  }
0x3b: {  	s30 =	sand.u32 $0x1, s13;
	v0 =	vld [tilespmem:s20+$0xFFFFFFF0]  }
0x3c: {  	s17 =	smul.u32 $0x4080, s30;
	s16 =	sshrl.u32 s16, $0x2  }
0x3d: {  	s18 =	sor.u32 $0x2000, s16  }
0x3e: {  	s31 =	sshrl.u32 s17, $0x2;
	s17 =	sadd.s32 $0x0, s18  }
0x3f: {  	s19 =	simm.s32 $0x4;
	s20 =	sadd.s32 $0x20, s20;
	s16 =	sor.u32 $0x2000, s31;
	[tilespmem:s17+$0x810 ss:$0x81] =	vst.msk $0xffff, v1  }
.LBB1_3:
0x40: {  	v1 =	vld [tilespmem:s20+$0x0];
	p1 =	sne.s32 s19, $0x1FC;
	[tilespmem:s17+$0x0 ss:$0x81] =	vst.msk $0xffff, v0;
	s17 =	smov.u32 s19;
	s19 =	sadd.s32 $0x4, s19  }
.Ltmp3:
0x41: {  	v0 =	vld [tilespmem:s20+$0xFFFFFFF0];
	(pc) =	sbr.rel @p1 .LBB1_3-.Ltmp3, $4  }
0x42: {  	_ = 	snop  }
0x43: {  	s17 =	sshra.s32 s17, $0x2  }
0x44: {  	s17 =	sadd.s32 s17, s18  }
0x45: {  	s20 =	sadd.s32 $0x20, s20;
	[tilespmem:s17+$0x810 ss:$0x81] =	vst.msk $0xffff, v1  }
.Ltmp4:
0x46: {  	_ = 	snop;
	(pc) =	sbr.rel .LBB1_4-.Ltmp4, $1  }
0x47: {  	_ =	sdelay $0x3  }
.LBB1_6:
0x48: {  	_ =	sfence.sel $0x180000  }
0x49: {  	s1 =	simm.s32 $0x1;
	[bflag:$0x0] =	sbarrier.arrive $0xFFFF  }
0x4a: {  	s31 =	simm.s32 $0x2;
	[sflag:s1] =	ssyncpa.u1 $0x1  }
0x4b: {  	[sflag:s31] =	ssyncpa.u1 $0x1  }
0x4c: {  	p0 =	sne.s32 s3, $0x0;
	_ =	strace $0x9000004D  }
0x4d: {  	s0 =	sadd.s32 @!p0 $0x100000, s0;
	[bflag:$0x2] =	sbarrier.arrive $0xFFFF  }
0x4e: {  	[sflag:s0] =	ssyncadd.tile.s32 @!p0 $0x1;
	_ =	shalt  }
.Lfunc_end1:
_tile_overlayer_lowered:
.L_overlay_start_2:
0x4f: {  	(tag) =	ssettag $0x2  }
0x50: {  	s0 =	rddreg [dreg:$0x0];
	s2 =	stileid.u32  }
0x51: {  	s1 =	rddreg [dreg:$0x1];
	p0 =	sne.s32 s2, $0x0  }
0x52: {  	s3 =	rddreg [dreg:$0x2];
	[bflag:$0x3] =	sbarrier.arrive $0xFFFF;
	s2 =	simm.s32 @!p0 $0x1C01  }
0x53: {  	[timem:s3], [sflag:s2] =	dma.local @!p0 [hbm:s0], s1  }
0x54: {  	s0 =	simm.s32 @!p0 $0x1  }
0x55: {  	_ =	swait.ge @!p0 [sflag:s0], s1  }
0x56: {  	s1 =	ssub.s32 @!p0 $0x0, s1;
	[sflag:s0] =	ssyncset.done @!p0 $0x0  }
0x57: {  	[sflag:s0] =	ssyncadd.s32 @!p0 s1  }
0x58: {  	[bflag:$0x3] =	sbarrier.arrive $0xFFFF  }
0x59: {  	_ =	shalt  }

</sc_bundles>
